<compile_context>
chip_gen: v7x
topology: tpu7x:2x2x1
jax: 0.10.2.dev20260603
libtpu: 0.0.44.dev20260713+nightly
codegen_flags: <defaults>
</compile_context>

<pallas_src>
import functools

import jax
import jax.numpy as jnp
from jax import lax
from jax.experimental import pallas as pl
from jax.experimental.pallas import tpu as pltpu
from jax.experimental.pallas import tpu_sc as plsc

N = 1024
E = 32768
EDGE_DIM = 16
L = 5
NN = N * N
NW = 32
P = NN // NW
ROWS = N // NW
LANES = 16

F32_MAX = 3.4028235e38


def _tc_table_body(w_ref, a_ref, *o_refs):
    t = lax.dot_general(
        w_ref[...], a_ref[...], (((1,), (1,)), ((), ())),
        preferred_element_type=jnp.float32)
    for l in range(L):
        o_refs[l][...] = t[l]


def _build_table(w_pad, edge_attr):
    return pl.pallas_call(
        _tc_table_body,
        out_shape=[jax.ShapeDtypeStruct((E,), jnp.float32)] * L,
    )(w_pad, edge_attr)


def _sc_body(t0, t1, t2, t3, t4, ept_hbm, out_hbm, tbl_v, idx_v, acc_v):
    wid = lax.axis_index("s") * 2 + lax.axis_index("c")
    row0 = wid * ROWS

    for l, t_hbm in enumerate((t0, t1, t2, t3, t4)):
        pltpu.sync_copy(t_hbm, tbl_v)
        pltpu.sync_copy(ept_hbm.at[pl.ds(l, 1), pl.ds(row0, ROWS), :], idx_v)

        def body(i, _, l=l):
            r = i >> 6
            k = (i & 63) * LANES
            iv = idx_v[0, r, pl.ds(k, LANES)]
            g = plsc.load_gather(tbl_v, [iv])
            if l == 0:
                acc_v[r, pl.ds(k, LANES)] = g
            elif l == L - 1:
                s = acc_v[r, pl.ds(k, LANES)] + g
                s = jnp.clip(s, -F32_MAX, F32_MAX)
                acc_v[r, pl.ds(k, LANES)] = jnp.where(s != s, 0.0, s)
            else:
                acc_v[r, pl.ds(k, LANES)] = acc_v[r, pl.ds(k, LANES)] + g
            return _

        lax.fori_loop(0, P // LANES, body, 0)

    pltpu.sync_copy(acc_v, out_hbm.at[pl.ds(row0, ROWS), :])


@functools.partial(
    pl.kernel,
    mesh=plsc.VectorSubcoreMesh(core_axis_name="c", subcore_axis_name="s"),
    out_type=jax.ShapeDtypeStruct((N, N), jnp.float32),
    compiler_params=pltpu.CompilerParams(needs_layout_passes=False),
    scratch_types=[
        pltpu.VMEM((E,), jnp.float32),
        pltpu.VMEM((1, ROWS, N), jnp.int32),
        pltpu.VMEM((ROWS, N), jnp.float32),
    ],
)
def _sc_gather(t0, t1, t2, t3, t4, ept_hbm, out_hbm, tbl_v, idx_v, acc_v):
    _sc_body(t0, t1, t2, t3, t4, ept_hbm, out_hbm, tbl_v, idx_v, acc_v)


def kernel(x, edge_attr, edge_paths, edge_weights):
    del x
    w_pad = jnp.zeros((8, EDGE_DIM), jnp.float32).at[:L].set(
        edge_weights.astype(jnp.float32) / L)
    tables = _build_table(w_pad, edge_attr)
    ept = jnp.transpose(edge_paths.astype(jnp.int32), (2, 0, 1))
    return _sc_gather(*tables, ept)

# --- scband reference (transcript-rebuilt; emitter-appended) ---
"""Pipeline reference for scband-edge-encoding-31945966748033 (READ-ONLY COPY).

The authoritative reference and input builder live on the scoring server;
editing this copy changes nothing except your own understanding.
"""

import jax, jax.numpy as jnp
import numpy as np

N = 1024
E = 32768
EDGE_DIM = 16
MAX_PATH = 5


def setup_inputs(seed: int = 0) -> dict:
    key = jax.random.key(seed)
    k1, k2, k3, k4 = jax.random.split(key, 4)
    x = jax.random.normal(k1, (N, 128), dtype=jnp.float32)
    edge_attr = jax.random.normal(k2, (E, EDGE_DIM), dtype=jnp.float32)
    edge_paths = jax.random.randint(k3, (N, N, MAX_PATH), 0, E, dtype=jnp.int64)
    edge_weights = jax.random.normal(k4, (MAX_PATH, EDGE_DIM), dtype=jnp.float32)
    return {"x": x, "edge_attr": edge_attr, "edge_paths": edge_paths, "edge_weights": edge_weights}


def reference(x, edge_attr, edge_paths, edge_weights):
    # For each (src, dst): path_ij = edge_paths[src, dst, :MAX_PATH] (all full length L)
    # cij[src, dst] = (edge_weights[:L] * edge_attr[path_ij]).sum(dim=1).mean()
    gathered = jnp.take(edge_attr, edge_paths, axis=0)          # [N, N, L, D]
    weighted = gathered * edge_weights[None, None, :, :]         # [N, N, L, D]
    cij = weighted.sum(axis=-1).mean(axis=-1)                    # [N, N]
    cij = jnp.nan_to_num(cij)
    return cij

if __name__ == "__main__":
    import jax
    _d = setup_inputs()
    print(jax.jit(kernel)(*tuple(_d.values())))

</pallas_src>

<mosaic_0001>
#map = affine_map<(d0, d1) -> (0)>
#map1 = affine_map<(d0, d1) -> (0, 0, 0)>
#map2 = affine_map<(d0, d1) -> (0, 0)>
module attributes {stable_mosaic.version = 14 : i64} {
  func.func @_sc_gather(%arg0: i32, %arg1: i32, %arg2: memref<32768xf32, #tpu.memory_space<hbm>>, %arg3: memref<32768xf32, #tpu.memory_space<hbm>>, %arg4: memref<32768xf32, #tpu.memory_space<hbm>>, %arg5: memref<32768xf32, #tpu.memory_space<hbm>>, %arg6: memref<32768xf32, #tpu.memory_space<hbm>>, %arg7: memref<5x1024x1024xi32, #tpu.memory_space<hbm>>, %arg8: memref<1024x1024xf32, #tpu.memory_space<hbm>>, %arg9: memref<32768xf32, #tpu.memory_space<vmem>>, %arg10: memref<1x32x1024xi32, #tpu.memory_space<vmem>>, %arg11: memref<32x1024xf32, #tpu.memory_space<vmem>>) attributes {dimension_semantics = [#tpu.dimension_semantics<core_parallel>, #tpu.dimension_semantics<subcore_parallel>], iteration_bounds = array<i64: 2, 16>, scalar_prefetch = 0 : i64, scratch_operands = 3 : i64, tpu.core_type = #tpu.core_type<sc_vector_subcore>, window_params = [{transform_indices = #map}, {transform_indices = #map}, {transform_indices = #map}, {transform_indices = #map}, {transform_indices = #map}, {transform_indices = #map1}, {transform_indices = #map2}]} {
    %mul3A = arith.constant 2 : i32
    %mul3A_0 = arith.muli %arg1, %mul3A : i32
    %add3A = arith.addi %mul3A_0, %arg0 : i32
    %mul3A_1 = arith.constant 32 : i32
    %mul3A_2 = arith.muli %add3A, %mul3A_1 : i32
    "tpu.region"() ({
      %run_scoped3A = tpu.sem_alloc : memref<!tpu.dma_semaphore, #tpu.memory_space<semaphore_mem>>
      tpu.enqueue_dma source(%arg2 : memref<32768xf32, #tpu.memory_space<hbm>>) target(%arg9 : memref<32768xf32, #tpu.memory_space<vmem>>) target_semaphore(%run_scoped3A : memref<!tpu.dma_semaphore, #tpu.memory_space<semaphore_mem>>)
      tpu.wait_dma2 semaphore(%run_scoped3A : memref<!tpu.dma_semaphore, #tpu.memory_space<semaphore_mem>>) src(%arg2 : memref<32768xf32, #tpu.memory_space<hbm>>) dst(%arg9 : memref<32768xf32, #tpu.memory_space<vmem>>)
      tpu.yield
    }) : () -> ()
    "tpu.region"() ({
      %run_scoped3A = tpu.sem_alloc : memref<!tpu.dma_semaphore, #tpu.memory_space<semaphore_mem>>
      %dma_start3A = arith.constant 0 : i32
      %dma_start3A_32 = arith.constant 0 : i32
      %dma_start3A_33 = tpu.memref_slice %arg7[%dma_start3A, %mul3A_2, %dma_start3A_32] : memref<5x1024x1024xi32, #tpu.memory_space<hbm>> -> memref<1x32x1024xi32, #tpu.memory_space<hbm>>
      %dma_start3A_34 = arith.constant 0 : i32
      %dma_start3A_35 = arith.constant 0 : i32
      %dma_start3A_36 = tpu.memref_slice %arg7[%dma_start3A_34, %mul3A_2, %dma_start3A_35] : memref<5x1024x1024xi32, #tpu.memory_space<hbm>> -> memref<1x32x1024xi32, #tpu.memory_space<hbm>>
      tpu.enqueue_dma source(%dma_start3A_36 : memref<1x32x1024xi32, #tpu.memory_space<hbm>>) target(%arg10 : memref<1x32x1024xi32, #tpu.memory_space<vmem>>) target_semaphore(%run_scoped3A : memref<!tpu.dma_semaphore, #tpu.memory_space<semaphore_mem>>)
      %dma_wait3A = arith.constant 0 : i32
      %dma_wait3A_37 = arith.constant 0 : i32
      %dma_wait3A_38 = tpu.memref_slice %arg7[%dma_wait3A, %mul3A_2, %dma_wait3A_37] : memref<5x1024x1024xi32, #tpu.memory_space<hbm>> -> memref<1x32x1024xi32, #tpu.memory_space<hbm>>
      %dma_wait3A_39 = arith.constant 0 : i32
      %dma_wait3A_40 = arith.constant 0 : i32
      %dma_wait3A_41 = tpu.memref_slice %arg7[%dma_wait3A_39, %mul3A_2, %dma_wait3A_40] : memref<5x1024x1024xi32, #tpu.memory_space<hbm>> -> memref<1x32x1024xi32, #tpu.memory_space<hbm>>
      tpu.wait_dma2 semaphore(%run_scoped3A : memref<!tpu.dma_semaphore, #tpu.memory_space<semaphore_mem>>) src(%dma_wait3A_41 : memref<1x32x1024xi32, #tpu.memory_space<hbm>>) dst(%arg10 : memref<1x32x1024xi32, #tpu.memory_space<vmem>>)
      tpu.yield
    }) : () -> ()
    %scan3A = arith.constant 0 : i32
    %scan3A_3 = arith.constant 0 : i32
    %scan3A_4 = arith.constant 2048 : i32
    %scan3A_5 = arith.addi %scan3A_3, %scan3A_4 : i32
    %scan3A_6 = arith.constant 1 : i32
    scf.for %scan3A_32 = %scan3A_3 to %scan3A_5 step %scan3A_6  : i32 {
      %shift_right_arithmetic3A = arith.constant 6 : i32
      %shift_right_arithmetic3A_33 = arith.shrsi %scan3A_32, %shift_right_arithmetic3A : i32
      %and3A = arith.constant 63 : i32
      %and3A_34 = arith.andi %scan3A_32, %and3A : i32
      %mul3A_35 = arith.constant 16 : i32
      %mul3A_36 = arith.muli %and3A_34, %mul3A_35 : i32
      %get3A = arith.constant 0 : i32
      %get3A_37 = arith.index_cast %get3A : i32 to index
      %get3A_38 = arith.index_cast %shift_right_arithmetic3A_33 : i32 to index
      %get3A_39 = arith.index_cast %mul3A_36 : i32 to index
      %get3A_40 = tpu.vector_load %arg10[%get3A_37, %get3A_38, %get3A_39] {strides = array<i32>} : memref<1x32x1024xi32, #tpu.memory_space<vmem>>, vector<16xi32>,
      %gather3A = tpu.vector_load_idx %arg9[%get3A_40] : memref<32768xf32, #tpu.memory_space<vmem>>[vector<16xi32>], vector<16xf32>,
      %swap3A = arith.index_cast %shift_right_arithmetic3A_33 : i32 to index
      %swap3A_41 = arith.index_cast %mul3A_36 : i32 to index
      %swap3A_42 = tpu.vector_load %arg11[%swap3A, %swap3A_41] {strides = array<i32>} : memref<32x1024xf32, #tpu.memory_space<vmem>>, vector<16xf32>,
      tpu.vector_store %arg11[%swap3A, %swap3A_41], %gather3A {strides = array<i32>} : memref<32x1024xf32, #tpu.memory_space<vmem>>, vector<16xf32>,
    }
    %scan3A_7 = arith.constant 2048 : i32
    "tpu.region"() ({
      %run_scoped3A = tpu.sem_alloc : memref<!tpu.dma_semaphore, #tpu.memory_space<semaphore_mem>>
      tpu.enqueue_dma source(%arg3 : memref<32768xf32, #tpu.memory_space<hbm>>) target(%arg9 : memref<32768xf32, #tpu.memory_space<vmem>>) target_semaphore(%run_scoped3A : memref<!tpu.dma_semaphore, #tpu.memory_space<semaphore_mem>>)
      tpu.wait_dma2 semaphore(%run_scoped3A : memref<!tpu.dma_semaphore, #tpu.memory_space<semaphore_mem>>) src(%arg3 : memref<32768xf32, #tpu.memory_space<hbm>>) dst(%arg9 : memref<32768xf32, #tpu.memory_space<vmem>>)
      tpu.yield
    }) : () -> ()
    "tpu.region"() ({
      %run_scoped3A = tpu.sem_alloc : memref<!tpu.dma_semaphore, #tpu.memory_space<semaphore_mem>>
      %dma_start3A = arith.constant 1 : i32
      %dma_start3A_32 = arith.constant 0 : i32
      %dma_start3A_33 = tpu.memref_slice %arg7[%dma_start3A, %mul3A_2, %dma_start3A_32] : memref<5x1024x1024xi32, #tpu.memory_space<hbm>> -> memref<1x32x1024xi32, #tpu.memory_space<hbm>>
      %dma_start3A_34 = arith.constant 1 : i32
      %dma_start3A_35 = arith.constant 0 : i32
      %dma_start3A_36 = tpu.memref_slice %arg7[%dma_start3A_34, %mul3A_2, %dma_start3A_35] : memref<5x1024x1024xi32, #tpu.memory_space<hbm>> -> memref<1x32x1024xi32, #tpu.memory_space<hbm>>
      tpu.enqueue_dma source(%dma_start3A_36 : memref<1x32x1024xi32, #tpu.memory_space<hbm>>) target(%arg10 : memref<1x32x1024xi32, #tpu.memory_space<vmem>>) target_semaphore(%run_scoped3A : memref<!tpu.dma_semaphore, #tpu.memory_space<semaphore_mem>>)
      %dma_wait3A = arith.constant 1 : i32
      %dma_wait3A_37 = arith.constant 0 : i32
      %dma_wait3A_38 = tpu.memref_slice %arg7[%dma_wait3A, %mul3A_2, %dma_wait3A_37] : memref<5x1024x1024xi32, #tpu.memory_space<hbm>> -> memref<1x32x1024xi32, #tpu.memory_space<hbm>>
      %dma_wait3A_39 = arith.constant 1 : i32
      %dma_wait3A_40 = arith.constant 0 : i32
      %dma_wait3A_41 = tpu.memref_slice %arg7[%dma_wait3A_39, %mul3A_2, %dma_wait3A_40] : memref<5x1024x1024xi32, #tpu.memory_space<hbm>> -> memref<1x32x1024xi32, #tpu.memory_space<hbm>>
      tpu.wait_dma2 semaphore(%run_scoped3A : memref<!tpu.dma_semaphore, #tpu.memory_space<semaphore_mem>>) src(%dma_wait3A_41 : memref<1x32x1024xi32, #tpu.memory_space<hbm>>) dst(%arg10 : memref<1x32x1024xi32, #tpu.memory_space<vmem>>)
      tpu.yield
    }) : () -> ()
    %scan3A_8 = arith.constant 0 : i32
    %scan3A_9 = arith.constant 0 : i32
    %scan3A_10 = arith.constant 2048 : i32
    %scan3A_11 = arith.addi %scan3A_9, %scan3A_10 : i32
    %scan3A_12 = arith.constant 1 : i32
    scf.for %scan3A_32 = %scan3A_9 to %scan3A_11 step %scan3A_12  : i32 {
      %shift_right_arithmetic3A = arith.constant 6 : i32
      %shift_right_arithmetic3A_33 = arith.shrsi %scan3A_32, %shift_right_arithmetic3A : i32
      %and3A = arith.constant 63 : i32
      %and3A_34 = arith.andi %scan3A_32, %and3A : i32
      %mul3A_35 = arith.constant 16 : i32
      %mul3A_36 = arith.muli %and3A_34, %mul3A_35 : i32
      %get3A = arith.constant 0 : i32
      %get3A_37 = arith.index_cast %get3A : i32 to index
      %get3A_38 = arith.index_cast %shift_right_arithmetic3A_33 : i32 to index
      %get3A_39 = arith.index_cast %mul3A_36 : i32 to index
      %get3A_40 = tpu.vector_load %arg10[%get3A_37, %get3A_38, %get3A_39] {strides = array<i32>} : memref<1x32x1024xi32, #tpu.memory_space<vmem>>, vector<16xi32>,
      %gather3A = tpu.vector_load_idx %arg9[%get3A_40] : memref<32768xf32, #tpu.memory_space<vmem>>[vector<16xi32>], vector<16xf32>,
      %get3A_41 = arith.index_cast %shift_right_arithmetic3A_33 : i32 to index
      %get3A_42 = arith.index_cast %mul3A_36 : i32 to index
      %get3A_43 = tpu.vector_load %arg11[%get3A_41, %get3A_42] {strides = array<i32>} : memref<32x1024xf32, #tpu.memory_space<vmem>>, vector<16xf32>,
      %add3A_44 = arith.addf %get3A_43, %gather3A : vector<16xf32>
      %swap3A = arith.index_cast %shift_right_arithmetic3A_33 : i32 to index
      %swap3A_45 = arith.index_cast %mul3A_36 : i32 to index
      %swap3A_46 = tpu.vector_load %arg11[%swap3A, %swap3A_45] {strides = array<i32>} : memref<32x1024xf32, #tpu.memory_space<vmem>>, vector<16xf32>,
      tpu.vector_store %arg11[%swap3A, %swap3A_45], %add3A_44 {strides = array<i32>} : memref<32x1024xf32, #tpu.memory_space<vmem>>, vector<16xf32>,
    }
    %scan3A_13 = arith.constant 2048 : i32
    "tpu.region"() ({
      %run_scoped3A = tpu.sem_alloc : memref<!tpu.dma_semaphore, #tpu.memory_space<semaphore_mem>>
      tpu.enqueue_dma source(%arg4 : memref<32768xf32, #tpu.memory_space<hbm>>) target(%arg9 : memref<32768xf32, #tpu.memory_space<vmem>>) target_semaphore(%run_scoped3A : memref<!tpu.dma_semaphore, #tpu.memory_space<semaphore_mem>>)
      tpu.wait_dma2 semaphore(%run_scoped3A : memref<!tpu.dma_semaphore, #tpu.memory_space<semaphore_mem>>) src(%arg4 : memref<32768xf32, #tpu.memory_space<hbm>>) dst(%arg9 : memref<32768xf32, #tpu.memory_space<vmem>>)
      tpu.yield
    }) : () -> ()
    "tpu.region"() ({
      %run_scoped3A = tpu.sem_alloc : memref<!tpu.dma_semaphore, #tpu.memory_space<semaphore_mem>>
      %dma_start3A = arith.constant 2 : i32
      %dma_start3A_32 = arith.constant 0 : i32
      %dma_start3A_33 = tpu.memref_slice %arg7[%dma_start3A, %mul3A_2, %dma_start3A_32] : memref<5x1024x1024xi32, #tpu.memory_space<hbm>> -> memref<1x32x1024xi32, #tpu.memory_space<hbm>>
      %dma_start3A_34 = arith.constant 2 : i32
      %dma_start3A_35 = arith.constant 0 : i32
      %dma_start3A_36 = tpu.memref_slice %arg7[%dma_start3A_34, %mul3A_2, %dma_start3A_35] : memref<5x1024x1024xi32, #tpu.memory_space<hbm>> -> memref<1x32x1024xi32, #tpu.memory_space<hbm>>
      tpu.enqueue_dma source(%dma_start3A_36 : memref<1x32x1024xi32, #tpu.memory_space<hbm>>) target(%arg10 : memref<1x32x1024xi32, #tpu.memory_space<vmem>>) target_semaphore(%run_scoped3A : memref<!tpu.dma_semaphore, #tpu.memory_space<semaphore_mem>>)
      %dma_wait3A = arith.constant 2 : i32
      %dma_wait3A_37 = arith.constant 0 : i32
      %dma_wait3A_38 = tpu.memref_slice %arg7[%dma_wait3A, %mul3A_2, %dma_wait3A_37] : memref<5x1024x1024xi32, #tpu.memory_space<hbm>> -> memref<1x32x1024xi32, #tpu.memory_space<hbm>>
      %dma_wait3A_39 = arith.constant 2 : i32
      %dma_wait3A_40 = arith.constant 0 : i32
      %dma_wait3A_41 = tpu.memref_slice %arg7[%dma_wait3A_39, %mul3A_2, %dma_wait3A_40] : memref<5x1024x1024xi32, #tpu.memory_space<hbm>> -> memref<1x32x1024xi32, #tpu.memory_space<hbm>>
      tpu.wait_dma2 semaphore(%run_scoped3A : memref<!tpu.dma_semaphore, #tpu.memory_space<semaphore_mem>>) src(%dma_wait3A_41 : memref<1x32x1024xi32, #tpu.memory_space<hbm>>) dst(%arg10 : memref<1x32x1024xi32, #tpu.memory_space<vmem>>)
      tpu.yield
    }) : () -> ()
    %scan3A_14 = arith.constant 0 : i32
    %scan3A_15 = arith.constant 0 : i32
    %scan3A_16 = arith.constant 2048 : i32
    %scan3A_17 = arith.addi %scan3A_15, %scan3A_16 : i32
    %scan3A_18 = arith.constant 1 : i32
    scf.for %scan3A_32 = %scan3A_15 to %scan3A_17 step %scan3A_18  : i32 {
      %shift_right_arithmetic3A = arith.constant 6 : i32
      %shift_right_arithmetic3A_33 = arith.shrsi %scan3A_32, %shift_right_arithmetic3A : i32
      %and3A = arith.constant 63 : i32
      %and3A_34 = arith.andi %scan3A_32, %and3A : i32
      %mul3A_35 = arith.constant 16 : i32
      %mul3A_36 = arith.muli %and3A_34, %mul3A_35 : i32
      %get3A = arith.constant 0 : i32
      %get3A_37 = arith.index_cast %get3A : i32 to index
      %get3A_38 = arith.index_cast %shift_right_arithmetic3A_33 : i32 to index
      %get3A_39 = arith.index_cast %mul3A_36 : i32 to index
      %get3A_40 = tpu.vector_load %arg10[%get3A_37, %get3A_38, %get3A_39] {strides = array<i32>} : memref<1x32x1024xi32, #tpu.memory_space<vmem>>, vector<16xi32>,
      %gather3A = tpu.vector_load_idx %arg9[%get3A_40] : memref<32768xf32, #tpu.memory_space<vmem>>[vector<16xi32>], vector<16xf32>,
      %get3A_41 = arith.index_cast %shift_right_arithmetic3A_33 : i32 to index
      %get3A_42 = arith.index_cast %mul3A_36 : i32 to index
      %get3A_43 = tpu.vector_load %arg11[%get3A_41, %get3A_42] {strides = array<i32>} : memref<32x1024xf32, #tpu.memory_space<vmem>>, vector<16xf32>,
      %add3A_44 = arith.addf %get3A_43, %gather3A : vector<16xf32>
      %swap3A = arith.index_cast %shift_right_arithmetic3A_33 : i32 to index
      %swap3A_45 = arith.index_cast %mul3A_36 : i32 to index
      %swap3A_46 = tpu.vector_load %arg11[%swap3A, %swap3A_45] {strides = array<i32>} : memref<32x1024xf32, #tpu.memory_space<vmem>>, vector<16xf32>,
      tpu.vector_store %arg11[%swap3A, %swap3A_45], %add3A_44 {strides = array<i32>} : memref<32x1024xf32, #tpu.memory_space<vmem>>, vector<16xf32>,
    }
    %scan3A_19 = arith.constant 2048 : i32
    "tpu.region"() ({
      %run_scoped3A = tpu.sem_alloc : memref<!tpu.dma_semaphore, #tpu.memory_space<semaphore_mem>>
      tpu.enqueue_dma source(%arg5 : memref<32768xf32, #tpu.memory_space<hbm>>) target(%arg9 : memref<32768xf32, #tpu.memory_space<vmem>>) target_semaphore(%run_scoped3A : memref<!tpu.dma_semaphore, #tpu.memory_space<semaphore_mem>>)
      tpu.wait_dma2 semaphore(%run_scoped3A : memref<!tpu.dma_semaphore, #tpu.memory_space<semaphore_mem>>) src(%arg5 : memref<32768xf32, #tpu.memory_space<hbm>>) dst(%arg9 : memref<32768xf32, #tpu.memory_space<vmem>>)
      tpu.yield
    }) : () -> ()
    "tpu.region"() ({
      %run_scoped3A = tpu.sem_alloc : memref<!tpu.dma_semaphore, #tpu.memory_space<semaphore_mem>>
      %dma_start3A = arith.constant 3 : i32
      %dma_start3A_32 = arith.constant 0 : i32
      %dma_start3A_33 = tpu.memref_slice %arg7[%dma_start3A, %mul3A_2, %dma_start3A_32] : memref<5x1024x1024xi32, #tpu.memory_space<hbm>> -> memref<1x32x1024xi32, #tpu.memory_space<hbm>>
      %dma_start3A_34 = arith.constant 3 : i32
      %dma_start3A_35 = arith.constant 0 : i32
      %dma_start3A_36 = tpu.memref_slice %arg7[%dma_start3A_34, %mul3A_2, %dma_start3A_35] : memref<5x1024x1024xi32, #tpu.memory_space<hbm>> -> memref<1x32x1024xi32, #tpu.memory_space<hbm>>
      tpu.enqueue_dma source(%dma_start3A_36 : memref<1x32x1024xi32, #tpu.memory_space<hbm>>) target(%arg10 : memref<1x32x1024xi32, #tpu.memory_space<vmem>>) target_semaphore(%run_scoped3A : memref<!tpu.dma_semaphore, #tpu.memory_space<semaphore_mem>>)
      %dma_wait3A = arith.constant 3 : i32
      %dma_wait3A_37 = arith.constant 0 : i32
      %dma_wait3A_38 = tpu.memref_slice %arg7[%dma_wait3A, %mul3A_2, %dma_wait3A_37] : memref<5x1024x1024xi32, #tpu.memory_space<hbm>> -> memref<1x32x1024xi32, #tpu.memory_space<hbm>>
      %dma_wait3A_39 = arith.constant 3 : i32
      %dma_wait3A_40 = arith.constant 0 : i32
      %dma_wait3A_41 = tpu.memref_slice %arg7[%dma_wait3A_39, %mul3A_2, %dma_wait3A_40] : memref<5x1024x1024xi32, #tpu.memory_space<hbm>> -> memref<1x32x1024xi32, #tpu.memory_space<hbm>>
      tpu.wait_dma2 semaphore(%run_scoped3A : memref<!tpu.dma_semaphore, #tpu.memory_space<semaphore_mem>>) src(%dma_wait3A_41 : memref<1x32x1024xi32, #tpu.memory_space<hbm>>) dst(%arg10 : memref<1x32x1024xi32, #tpu.memory_space<vmem>>)
      tpu.yield
    }) : () -> ()
    %scan3A_20 = arith.constant 0 : i32
    %scan3A_21 = arith.constant 0 : i32
    %scan3A_22 = arith.constant 2048 : i32
    %scan3A_23 = arith.addi %scan3A_21, %scan3A_22 : i32
    %scan3A_24 = arith.constant 1 : i32
    scf.for %scan3A_32 = %scan3A_21 to %scan3A_23 step %scan3A_24  : i32 {
      %shift_right_arithmetic3A = arith.constant 6 : i32
      %shift_right_arithmetic3A_33 = arith.shrsi %scan3A_32, %shift_right_arithmetic3A : i32
      %and3A = arith.constant 63 : i32
      %and3A_34 = arith.andi %scan3A_32, %and3A : i32
      %mul3A_35 = arith.constant 16 : i32
      %mul3A_36 = arith.muli %and3A_34, %mul3A_35 : i32
      %get3A = arith.constant 0 : i32
      %get3A_37 = arith.index_cast %get3A : i32 to index
      %get3A_38 = arith.index_cast %shift_right_arithmetic3A_33 : i32 to index
      %get3A_39 = arith.index_cast %mul3A_36 : i32 to index
      %get3A_40 = tpu.vector_load %arg10[%get3A_37, %get3A_38, %get3A_39] {strides = array<i32>} : memref<1x32x1024xi32, #tpu.memory_space<vmem>>, vector<16xi32>,
      %gather3A = tpu.vector_load_idx %arg9[%get3A_40] : memref<32768xf32, #tpu.memory_space<vmem>>[vector<16xi32>], vector<16xf32>,
      %get3A_41 = arith.index_cast %shift_right_arithmetic3A_33 : i32 to index
      %get3A_42 = arith.index_cast %mul3A_36 : i32 to index
      %get3A_43 = tpu.vector_load %arg11[%get3A_41, %get3A_42] {strides = array<i32>} : memref<32x1024xf32, #tpu.memory_space<vmem>>, vector<16xf32>,
      %add3A_44 = arith.addf %get3A_43, %gather3A : vector<16xf32>
      %swap3A = arith.index_cast %shift_right_arithmetic3A_33 : i32 to index
      %swap3A_45 = arith.index_cast %mul3A_36 : i32 to index
      %swap3A_46 = tpu.vector_load %arg11[%swap3A, %swap3A_45] {strides = array<i32>} : memref<32x1024xf32, #tpu.memory_space<vmem>>, vector<16xf32>,
      tpu.vector_store %arg11[%swap3A, %swap3A_45], %add3A_44 {strides = array<i32>} : memref<32x1024xf32, #tpu.memory_space<vmem>>, vector<16xf32>,
    }
    %scan3A_25 = arith.constant 2048 : i32
    "tpu.region"() ({
      %run_scoped3A = tpu.sem_alloc : memref<!tpu.dma_semaphore, #tpu.memory_space<semaphore_mem>>
      tpu.enqueue_dma source(%arg6 : memref<32768xf32, #tpu.memory_space<hbm>>) target(%arg9 : memref<32768xf32, #tpu.memory_space<vmem>>) target_semaphore(%run_scoped3A : memref<!tpu.dma_semaphore, #tpu.memory_space<semaphore_mem>>)
      tpu.wait_dma2 semaphore(%run_scoped3A : memref<!tpu.dma_semaphore, #tpu.memory_space<semaphore_mem>>) src(%arg6 : memref<32768xf32, #tpu.memory_space<hbm>>) dst(%arg9 : memref<32768xf32, #tpu.memory_space<vmem>>)
      tpu.yield
    }) : () -> ()
    "tpu.region"() ({
      %run_scoped3A = tpu.sem_alloc : memref<!tpu.dma_semaphore, #tpu.memory_space<semaphore_mem>>
      %dma_start3A = arith.constant 4 : i32
      %dma_start3A_32 = arith.constant 0 : i32
      %dma_start3A_33 = tpu.memref_slice %arg7[%dma_start3A, %mul3A_2, %dma_start3A_32] : memref<5x1024x1024xi32, #tpu.memory_space<hbm>> -> memref<1x32x1024xi32, #tpu.memory_space<hbm>>
      %dma_start3A_34 = arith.constant 4 : i32
      %dma_start3A_35 = arith.constant 0 : i32
      %dma_start3A_36 = tpu.memref_slice %arg7[%dma_start3A_34, %mul3A_2, %dma_start3A_35] : memref<5x1024x1024xi32, #tpu.memory_space<hbm>> -> memref<1x32x1024xi32, #tpu.memory_space<hbm>>
      tpu.enqueue_dma source(%dma_start3A_36 : memref<1x32x1024xi32, #tpu.memory_space<hbm>>) target(%arg10 : memref<1x32x1024xi32, #tpu.memory_space<vmem>>) target_semaphore(%run_scoped3A : memref<!tpu.dma_semaphore, #tpu.memory_space<semaphore_mem>>)
      %dma_wait3A = arith.constant 4 : i32
      %dma_wait3A_37 = arith.constant 0 : i32
      %dma_wait3A_38 = tpu.memref_slice %arg7[%dma_wait3A, %mul3A_2, %dma_wait3A_37] : memref<5x1024x1024xi32, #tpu.memory_space<hbm>> -> memref<1x32x1024xi32, #tpu.memory_space<hbm>>
      %dma_wait3A_39 = arith.constant 4 : i32
      %dma_wait3A_40 = arith.constant 0 : i32
      %dma_wait3A_41 = tpu.memref_slice %arg7[%dma_wait3A_39, %mul3A_2, %dma_wait3A_40] : memref<5x1024x1024xi32, #tpu.memory_space<hbm>> -> memref<1x32x1024xi32, #tpu.memory_space<hbm>>
      tpu.wait_dma2 semaphore(%run_scoped3A : memref<!tpu.dma_semaphore, #tpu.memory_space<semaphore_mem>>) src(%dma_wait3A_41 : memref<1x32x1024xi32, #tpu.memory_space<hbm>>) dst(%arg10 : memref<1x32x1024xi32, #tpu.memory_space<vmem>>)
      tpu.yield
    }) : () -> ()
    %scan3A_26 = arith.constant 0 : i32
    %scan3A_27 = arith.constant 0 : i32
    %scan3A_28 = arith.constant 2048 : i32
    %scan3A_29 = arith.addi %scan3A_27, %scan3A_28 : i32
    %scan3A_30 = arith.constant 1 : i32
    scf.for %scan3A_32 = %scan3A_27 to %scan3A_29 step %scan3A_30  : i32 {
      %shift_right_arithmetic3A = arith.constant 6 : i32
      %shift_right_arithmetic3A_33 = arith.shrsi %scan3A_32, %shift_right_arithmetic3A : i32
      %and3A = arith.constant 63 : i32
      %and3A_34 = arith.andi %scan3A_32, %and3A : i32
      %mul3A_35 = arith.constant 16 : i32
      %mul3A_36 = arith.muli %and3A_34, %mul3A_35 : i32
      %get3A = arith.constant 0 : i32
      %get3A_37 = arith.index_cast %get3A : i32 to index
      %get3A_38 = arith.index_cast %shift_right_arithmetic3A_33 : i32 to index
      %get3A_39 = arith.index_cast %mul3A_36 : i32 to index
      %get3A_40 = tpu.vector_load %arg10[%get3A_37, %get3A_38, %get3A_39] {strides = array<i32>} : memref<1x32x1024xi32, #tpu.memory_space<vmem>>, vector<16xi32>,
      %gather3A = tpu.vector_load_idx %arg9[%get3A_40] : memref<32768xf32, #tpu.memory_space<vmem>>[vector<16xi32>], vector<16xf32>,
      %get3A_41 = arith.index_cast %shift_right_arithmetic3A_33 : i32 to index
      %get3A_42 = arith.index_cast %mul3A_36 : i32 to index
      %get3A_43 = tpu.vector_load %arg11[%get3A_41, %get3A_42] {strides = array<i32>} : memref<32x1024xf32, #tpu.memory_space<vmem>>, vector<16xf32>,
      %add3A_44 = arith.addf %get3A_43, %gather3A : vector<16xf32>
      %jit3A = arith.constant -3.40282347E+38 : f32
      %jit3A_45 = arith.constant 3.40282347E+38 : f32
      %max3A = vector.broadcast %jit3A : f32 to vector<16xf32>
      %max3A_46 = arith.maximumf %max3A, %add3A_44 : vector<16xf32>
      %min3A = vector.broadcast %jit3A_45 : f32 to vector<16xf32>
      %min3A_47 = arith.minimumf %min3A, %max3A_46 : vector<16xf32>
      %ne3A = arith.cmpf one, %min3A_47, %min3A_47 : vector<16xf32>
      %jit3A_48 = arith.constant 0.000000e+00 : f32
      %broadcast_in_dim3A = vector.broadcast %jit3A_48 : f32 to vector<16xf32>
      %select_n3A = arith.select %ne3A, %broadcast_in_dim3A, %min3A_47 : vector<16xi1>, vector<16xf32>
      %swap3A = arith.index_cast %shift_right_arithmetic3A_33 : i32 to index
      %swap3A_49 = arith.index_cast %mul3A_36 : i32 to index
      %swap3A_50 = tpu.vector_load %arg11[%swap3A, %swap3A_49] {strides = array<i32>} : memref<32x1024xf32, #tpu.memory_space<vmem>>, vector<16xf32>,
      tpu.vector_store %arg11[%swap3A, %swap3A_49], %select_n3A {strides = array<i32>} : memref<32x1024xf32, #tpu.memory_space<vmem>>, vector<16xf32>,
    }
    %scan3A_31 = arith.constant 2048 : i32
    "tpu.region"() ({
      %run_scoped3A = tpu.sem_alloc : memref<!tpu.dma_semaphore, #tpu.memory_space<semaphore_mem>>
      %dma_start3A = arith.constant 0 : i32
      %dma_start3A_32 = tpu.memref_slice %arg8[%mul3A_2, %dma_start3A] : memref<1024x1024xf32, #tpu.memory_space<hbm>> -> memref<32x1024xf32, #tpu.memory_space<hbm>>
      %dma_start3A_33 = arith.constant 0 : i32
      %dma_start3A_34 = tpu.memref_slice %arg8[%mul3A_2, %dma_start3A_33] : memref<1024x1024xf32, #tpu.memory_space<hbm>> -> memref<32x1024xf32, #tpu.memory_space<hbm>>
      tpu.enqueue_dma source(%arg11 : memref<32x1024xf32, #tpu.memory_space<vmem>>) target(%dma_start3A_34 : memref<32x1024xf32, #tpu.memory_space<hbm>>) target_semaphore(%run_scoped3A : memref<!tpu.dma_semaphore, #tpu.memory_space<semaphore_mem>>)
      %dma_wait3A = arith.constant 0 : i32
      %dma_wait3A_35 = tpu.memref_slice %arg8[%mul3A_2, %dma_wait3A] : memref<1024x1024xf32, #tpu.memory_space<hbm>> -> memref<32x1024xf32, #tpu.memory_space<hbm>>
      %dma_wait3A_36 = arith.constant 0 : i32
      %dma_wait3A_37 = tpu.memref_slice %arg8[%mul3A_2, %dma_wait3A_36] : memref<1024x1024xf32, #tpu.memory_space<hbm>> -> memref<32x1024xf32, #tpu.memory_space<hbm>>
      tpu.wait_dma2 semaphore(%run_scoped3A : memref<!tpu.dma_semaphore, #tpu.memory_space<semaphore_mem>>) src(%arg11 : memref<32x1024xf32, #tpu.memory_space<vmem>>) dst(%dma_wait3A_37 : memref<32x1024xf32, #tpu.memory_space<hbm>>)
      tpu.yield
    }) : () -> ()
    return
  }
}

module attributes {stable_mosaic.version = 14 : i64} {
  func.func @_tc_table_body(%arg0: memref<8x16xf32, #tpu.memory_space<vmem>>, %arg1: memref<32768x16xf32, #tpu.memory_space<vmem>>, %arg2: memref<32768xf32, #tpu.memory_space<vmem>>, %arg3: memref<32768xf32, #tpu.memory_space<vmem>>, %arg4: memref<32768xf32, #tpu.memory_space<vmem>>, %arg5: memref<32768xf32, #tpu.memory_space<vmem>>, %arg6: memref<32768xf32, #tpu.memory_space<vmem>>) attributes {dimension_semantics = [], scalar_prefetch = 0 : i64, scratch_operands = 0 : i64, tpu.core_type = #tpu.core_type<tc>} {
    %get3A = arith.constant 0 : index
    %get3A_0 = arith.constant 0 : index
    %get3A_1 = vector.load %arg0[%get3A, %get3A_0] : memref<8x16xf32, #tpu.memory_space<vmem>>, vector<8x16xf32>
    %get3A_2 = arith.constant 0 : index
    %get3A_3 = arith.constant 0 : index
    %get3A_4 = vector.load %arg1[%get3A_2, %get3A_3] : memref<32768x16xf32, #tpu.memory_space<vmem>>, vector<32768x16xf32>
    %dot_general3A = arith.constant dense<0.000000e+00> : vector<8x32768xf32>
    %dot_general3A_5 = tpu.matmul %get3A_1, %get3A_4, %dot_general3A {dimension_numbers = #tpu.dot_dimension_numbers<[1], [1], [0], [0], [0, 0, 1, 0], [], []>, transpose_lhs_hint = false} : vector<8x16xf32>, vector<32768x16xf32>, vector<8x32768xf32> -> vector<8x32768xf32>
    %slice3A = vector.extract_strided_slice %dot_general3A_5 {offsets = [0, 0], sizes = [1, 32768], strides = [1, 1]} : vector<8x32768xf32> to vector<1x32768xf32>
    %squeeze3A = vector.shape_cast %slice3A : vector<1x32768xf32> to vector<32768xf32>
    %swap3A = arith.constant 0 : index
    %swap3A_6 = vector.load %arg2[%swap3A] : memref<32768xf32, #tpu.memory_space<vmem>>, vector<32768xf32>
    tpu.vector_store %arg2[%swap3A], %squeeze3A {strides = array<i32>} : memref<32768xf32, #tpu.memory_space<vmem>>, vector<32768xf32>,
    %slice3A_7 = vector.extract_strided_slice %dot_general3A_5 {offsets = [1, 0], sizes = [1, 32768], strides = [1, 1]} : vector<8x32768xf32> to vector<1x32768xf32>
    %squeeze3A_8 = vector.shape_cast %slice3A_7 : vector<1x32768xf32> to vector<32768xf32>
    %swap3A_9 = arith.constant 0 : index
    %swap3A_10 = vector.load %arg3[%swap3A_9] : memref<32768xf32, #tpu.memory_space<vmem>>, vector<32768xf32>
    tpu.vector_store %arg3[%swap3A_9], %squeeze3A_8 {strides = array<i32>} : memref<32768xf32, #tpu.memory_space<vmem>>, vector<32768xf32>,
    %slice3A_11 = vector.extract_strided_slice %dot_general3A_5 {offsets = [2, 0], sizes = [1, 32768], strides = [1, 1]} : vector<8x32768xf32> to vector<1x32768xf32>
    %squeeze3A_12 = vector.shape_cast %slice3A_11 : vector<1x32768xf32> to vector<32768xf32>
    %swap3A_13 = arith.constant 0 : index
    %swap3A_14 = vector.load %arg4[%swap3A_13] : memref<32768xf32, #tpu.memory_space<vmem>>, vector<32768xf32>
    tpu.vector_store %arg4[%swap3A_13], %squeeze3A_12 {strides = array<i32>} : memref<32768xf32, #tpu.memory_space<vmem>>, vector<32768xf32>,
    %slice3A_15 = vector.extract_strided_slice %dot_general3A_5 {offsets = [3, 0], sizes = [1, 32768], strides = [1, 1]} : vector<8x32768xf32> to vector<1x32768xf32>
    %squeeze3A_16 = vector.shape_cast %slice3A_15 : vector<1x32768xf32> to vector<32768xf32>
    %swap3A_17 = arith.constant 0 : index
    %swap3A_18 = vector.load %arg5[%swap3A_17] : memref<32768xf32, #tpu.memory_space<vmem>>, vector<32768xf32>
    tpu.vector_store %arg5[%swap3A_17], %squeeze3A_16 {strides = array<i32>} : memref<32768xf32, #tpu.memory_space<vmem>>, vector<32768xf32>,
    %slice3A_19 = vector.extract_strided_slice %dot_general3A_5 {offsets = [4, 0], sizes = [1, 32768], strides = [1, 1]} : vector<8x32768xf32> to vector<1x32768xf32>
    %squeeze3A_20 = vector.shape_cast %slice3A_19 : vector<1x32768xf32> to vector<32768xf32>
    %swap3A_21 = arith.constant 0 : index
    %swap3A_22 = vector.load %arg6[%swap3A_21] : memref<32768xf32, #tpu.memory_space<vmem>>, vector<32768xf32>
    tpu.vector_store %arg6[%swap3A_21], %squeeze3A_20 {strides = array<i32>} : memref<32768xf32, #tpu.memory_space<vmem>>, vector<32768xf32>,
    return
  }
}

</mosaic_0001>

<sc_bundles>
// kernel: kernel.4.cloned.1.call-start
scs
__scs_entry_jumppad:
0x0: {  	(pc) =	sbr.rel $0x88, $3  }
0x1: {  	(tag) =	ssettag $0x0;
	lr =	simm.s32 $0x1  }
0x2: {  	[smem:$0x3F9E] =	sst lr;
	_ =	strace $0xD0000000  }
0x3: {  	_ = 	snop  }
0x4: {  	_ = 	snop  }
0x5: {  	_ = 	snop  }
0x6: {  	_ = 	snop  }
0x7: {  	_ = 	snop  }
__scs_overlays_trampoline_lowered:
0x8: {  	[smem:$0x3FAD] =	sst s0  }
0x9: {  	[smem:$0x3FAE] =	sst s1  }
0xa: {  	[smem:$0x3FAF] =	sst s2  }
0xb: {  	[smem:$0x3FB0] =	sst s3  }
0xc: {  	[smem:$0x3FB1] =	sst s4  }
0xd: {  	[smem:$0x3FB2] =	sst s5  }
0xe: {  	[smem:$0x3FB3] =	sst s6  }
0xf: {  	[smem:$0x3FB4] =	sst s7  }
0x10: {  	[smem:$0x3FB5] =	sst s8  }
0x11: {  	[smem:$0x3FB6] =	sst s9;
	s0 =	simm.s32 @!p0 $0x0  }
0x12: {  	s1 =	sld [smem:$0x3F9C];
	s0 =	simm.s32 @p0 $0x1  }
0x13: {  	[smem:$0x3FB7] =	sst s0;
	s0 =	simm.s32 @!p1 $0x0  }
0x14: {  	s2 =	sld [smem:$0x3F9B];
	s0 =	simm.s32 @p1 $0x1  }
0x15: {  	[smem:$0x3FB8] =	sst s0;
	s0 =	simm.s32 @!p2 $0x0  }
0x16: {  	s3 =	sld [smem:$0x3FDB];
	s0 =	simm.s32 @p2 $0x1  }
0x17: {  	s4 =	simm.s32 $0x1BF5;
	[smem:$0x3FBA] =	sst s0  }
0x18: {  	s0 =	sld [smem:$0x3F9D];
	_ =	swait.ge [sflag:s4], $0x0  }
0x19: {  	s7 =	sld [smem:$0x3F9E]  }
0x1a: {  	s8 =	sadd.s32 $0xFFFFE003, lr  }
0x1b: {  	s9 =	sadd.s32 $0xFFFFFEF7, lr;
	s5 =	simm.s32 $0xFFFFFFFF;
	p2 =	slt.u32 s8, $0xFFFFF086  }
0x1c: {  	p1 =	slt.u32 s9, $0xF7A;
	s5 =	simm.s32 @!p2 $0x0  }
0x1d: {  	s5 =	simm.s32 @p1 $0x1;
	p0 =	seq.s32 s7, s2  }
0x1e: {  	s7 =	smul.u32 @!p0 $0xF7A, s2;
	p2 =	seq.s32 @!p0 s5, $0x0  }
0x1f: {  	s9 =	smul.u32 $0xF7A, s1;
	s8 =	simm.s32 @!p0 $0x1BF5;
	p2 =	por !p2, p0  }
0x20: {  	[sflag:s8] =	ssyncset.s32 @!p0 $0xFFFFF086;
	s6 =	sadd.s32 @!p0 s3, s7;
	s7 =	simm.s32 @!p0 $0x108  }
0x21: {  	s3 =	sadd.s32 s3, s9;
	s6 =	sadd.s32 @!p0 $0x88, s6;
	s7 =	simm.s32 @p2 $0x1082  }
0x22: {  	[simem:s7], [sflag:s8] =	dma.local @!p0 [hbm:s6], $0xF7A  }
0x23: {  	s9 =	sor.u32 $0xD0000000, s2;
	s6 =	simm.s32 $0x108;
	_ =	swait.ge @!p0 [sflag:s8], $0x0  }
0x24: {  	s3 =	sadd.s32 $0x88, s3;
	s6 =	simm.s32 @!p1 $0x1082;
	[sflag:s4] =	ssyncset.s32 $0xFFFFF086  }
0x25: {  	[simem:s6], [sflag:s4] =	dma.local [hbm:s3], $0xF7A  }
0x26: {  	[smem:$0x3F9E] =	sst s1;
	(tag) =	ssettag s2;
	_ =	strace s9  }
0x27: {  	s1 =	sld [smem:$0x3FAE]  }
0x28: {  	s2 =	sld [smem:$0x3FAF]  }
0x29: {  	s4 =	sld [smem:$0x3FB1]  }
0x2a: {  	p0 =	seq.s32 s5, $0x0;
	s5 =	sld [smem:$0x3FB2]  }
0x2b: {  	s6 =	sld [smem:$0x3FB3]  }
0x2c: {  	s7 =	sld [smem:$0x3FB4]  }
0x2d: {  	s3 =	simm.s32 $0x108;
	s8 =	sld [smem:$0x3FB5]  }
0x2e: {  	s3 =	simm.s32 @!p0 $0x1082;
	s9 =	sld [smem:$0x3FB6]  }
0x2f: {  	lr =	sadd.s32 s0, s3;
	s0 =	sld [smem:$0x3FAD]  }
0x30: {  	s3 =	sld [smem:$0x3FB0]  }
0x31: {  	[smem:$0x3FB9] =	sst s10  }
0x32: {  	s10 =	sld [smem:$0x3FB7];
	_ =	sdelay $0x3  }
0x33: {  	p0 =	seq.s32 s10, $0x1;
	s10 =	sld [smem:$0x3FB9];
	_ =	sdelay $0x3  }
0x34: {  	[smem:$0x3FB9] =	sst s10  }
0x35: {  	s10 =	sld [smem:$0x3FB8];
	_ =	sdelay $0x3  }
0x36: {  	p1 =	seq.s32 s10, $0x1;
	s10 =	sld [smem:$0x3FB9];
	_ =	sdelay $0x3  }
0x37: {  	[smem:$0x3FB9] =	sst s10  }
0x38: {  	s10 =	sld [smem:$0x3FBA]  }
0x39: {  	_ = 	snop;
	(pc) =	sbr.ind lr, $3  }
0x3a: {  	_ = 	snop  }
0x3b: {  	_ = 	snop  }
0x3c: {  	p2 =	seq.s32 s10, $0x1;
	s10 =	sld [smem:$0x3FB9]  }
0x3d: {  	_ =	shalt  }
0x3e: {  	_ =	shalt  }
0x3f: {  	_ =	shalt  }
0x40: {  	_ =	shalt  }
0x41: {  	_ =	shalt  }
0x42: {  	_ =	shalt  }
0x43: {  	_ =	shalt  }
0x44: {  	_ =	shalt  }
0x45: {  	_ =	shalt  }
0x46: {  	_ =	shalt  }
0x47: {  	_ =	shalt  }
0x48: {  	_ =	shalt  }
0x49: {  	_ =	shalt  }
0x4a: {  	_ =	shalt  }
0x4b: {  	_ =	shalt  }
0x4c: {  	_ =	shalt  }
0x4d: {  	_ =	shalt  }
0x4e: {  	_ =	shalt  }
0x4f: {  	_ =	shalt  }
0x50: {  	_ =	shalt  }
0x51: {  	_ =	shalt  }
0x52: {  	_ =	shalt  }
0x53: {  	_ =	shalt  }
0x54: {  	_ =	shalt  }
0x55: {  	_ =	shalt  }
0x56: {  	_ =	shalt  }
0x57: {  	_ =	shalt  }
0x58: {  	_ =	shalt  }
0x59: {  	_ =	shalt  }
0x5a: {  	_ =	shalt  }
0x5b: {  	_ =	shalt  }
0x5c: {  	_ =	shalt  }
0x5d: {  	_ =	shalt  }
0x5e: {  	_ =	shalt  }
0x5f: {  	_ =	shalt  }
0x60: {  	_ =	shalt  }
0x61: {  	_ =	shalt  }
0x62: {  	_ =	shalt  }
0x63: {  	_ =	shalt  }
0x64: {  	_ =	shalt  }
0x65: {  	_ =	shalt  }
0x66: {  	_ =	shalt  }
0x67: {  	_ =	shalt  }
0x68: {  	_ =	shalt  }
0x69: {  	_ =	shalt  }
0x6a: {  	_ =	shalt  }
0x6b: {  	_ =	shalt  }
0x6c: {  	_ =	shalt  }
0x6d: {  	_ =	shalt  }
0x6e: {  	_ =	shalt  }
0x6f: {  	_ =	shalt  }
0x70: {  	_ =	shalt  }
0x71: {  	_ =	shalt  }
0x72: {  	_ =	shalt  }
0x73: {  	_ =	shalt  }
0x74: {  	_ =	shalt  }
0x75: {  	_ =	shalt  }
0x76: {  	_ =	shalt  }
0x77: {  	_ =	shalt  }
0x78: {  	_ =	shalt  }
0x79: {  	_ =	shalt  }
0x7a: {  	_ =	shalt  }
0x7b: {  	_ =	shalt  }
0x7c: {  	_ =	shalt  }
0x7d: {  	_ =	shalt  }
0x7e: {  	_ =	shalt  }
0x7f: {  	_ =	shalt  }
0x80: {  	_ =	shalt  }
0x81: {  	_ =	shalt  }
0x82: {  	_ =	shalt  }
0x83: {  	_ =	shalt  }
0x84: {  	_ =	shalt  }
0x85: {  	_ =	shalt  }
0x86: {  	_ =	shalt  }
0x87: {  	_ =	shalt  }
.Lfunc_end0:
.L_simem_size_0:
called_computation_lowered:
.L_overlay_start_0:
0x88: {  	s2 =	sld [smem:$0x3FD9]  }
0x89: {  	s3 =	sld [smem:$0x3FFE];
	_ =	sdelay $0x1  }
0x8a: {  	s1 =	srdreg.scid  }
0x8b: {  	s0 =	sand.u32 $0x1, s1  }
0x8c: {  	s17 =	sshll.u32 s0, $0xA;
	s2 =	sadd.s32 s3, s2  }
0x8d: {  	s2 =	sadd.s32 s2, s17  }
0x8e: {  	[smem:$0x3FC5] =	sst s2  }
0x8f: {  	_ = 	snop  }
0x90: {  	s2 =	sld [smem:$0x3FC8]  }
0x91: {  	s18 =	sld [smem:$0x3FD0];
	(tm) =	ssettm $0x1  }
0x92: {  	s4 =	sld [smem:$0x3FFB];
	_ =	sdelay $0x3  }
0x93: {  	_ =	strace s4  }
0x94: {  	s4 =	sld [smem:$0x3FFC];
	_ =	sdelay $0x3  }
0x95: {  	_ =	strace s4  }
0x96: {  	s4 =	sld [smem:$0x3FFD];
	_ =	sdelay $0x3  }
0x97: {  	_ =	strace s4  }
0x98: {  	_ =	strace $0x8FFFFFFF  }
0x99: {  	s19 =	sld [smem:$0x3FDB];
	_ =	sdelay $0x1  }
0x9a: {  	s5 =	simm.s32 $_scs_section_size  }
0x9b: {  	s6 =	simm.s32 $_size__tile_overlayer_lowered;
	s7 =	simm.s32 $_tile_overlayer_lowered  }
0x9c: {  	s22 =	simm.s32 $0x1BFF;
	s21 =	sshll.u32 s7, $0x1;
	s4 =	sadd.s32 s5, s19  }
0x9d: {  	s8 =	simm.s32 $0x0;
	s20 =	sshll.u32 s6, $0x1;
	s6 =	sadd.s32 s21, s4  }
0x9e: {  	[timem:s8], [sflag:s22] =	dma.local [hbm:s6], s20  }
0x9f: {  	_ =	swait.ge [sflag:s22], s20  }
0xa0: {  	s5 =	ssub.s32 $0x0, s20;
	[sflag:s22] =	ssyncset.done $0x0  }
0xa1: {  	[sflag:s22] =	ssyncadd.s32 s5;
	_ =	sdelay $0x1  }
0xa2: {  	s23 =	simm.s32 $0x1B8B  }
0xa3: {  	_ =	swait.ge [sflag:s23], $0x1  }
0xa4: {  	[sflag:s23] =	ssyncset.done $0x0  }
0xa5: {  	s25 =	simm.s32 $0x1B8E;
	s24 =	sld [smem:$0x3FFE];
	[sflag:s23] =	ssyncadd.s32 $0xFFFFFFFF  }
0xa6: {  	s26 =	simm.s32 $execute0_lowered;
	[smem:$0x3FD2] =	sst s25  }
0xa7: {  	s6 =	sshll.u32 s26, $0x1;
	_ =	strace $0x80000046;
	[dreg:$0x1] =	wrdreg $0xFFFFFFFF  }
0xa8: {  	s28 =	simm.s32 $_size_execute0_lowered;
	s4 =	sadd.s32 s4, s6;
	[dreg:$0x0] =	wrdreg $0x0  }
0xa9: {  	s6 =	sshll.u32 s28, $0x1;
	[dreg:$0x2] =	wrdreg s4  }
0xaa: {  	[dreg:$0x3] =	wrdreg s6  }
0xab: {  	[dreg:$0x4] =	wrdreg $0xC0  }
0xac: {  	_ =	task [dreg:s8], $0x5FFFF  }
0xad: {  	[dreg:$0x1] =	wrdreg $0xFFFFFFFF  }
0xae: {  	[dreg:$0x0] =	wrdreg $0x60  }
0xaf: {  	[dreg:$0x2] =	wrdreg s24  }
0xb0: {  	[dreg:$0x3] =	wrdreg s2  }
0xb1: {  	[dreg:$0x4] =	wrdreg s18  }
0xb2: {  	[dreg:$0x5] =	wrdreg $0x9  }
0xb3: {  	_ =	task.clear_ibuf [dreg:s8], $0x6FFFF;
	_ =	strace $0x90000046  }
0xb4: {  	s29 =	simm.s32 $0x9;
	_ =	strace $0x80000048  }
0xb5: {  	_ =	swait.ge [sflag:s29], $0x1  }
0xb6: {  	[sflag:s29] =	ssyncadd.s32 $0xFFFFFFFF  }
0xb7: {  	_ =	strace $0x90000048  }
0xb8: {  	_ =	sfence  }
0xb9: {  	s30 =	sld [smem:$0x0];
	_ =	sdelay $0x2  }
0xba: {  	s31 =	sshll.u32 s1, $0xD;
	s1 =	sshrl.u32 s1, $0x2  }
0xbb: {  	s3 =	sand.u32 $0x4000, s31;
	s1 =	sadd.s32 s1, s30  }
0xbc: {  	s0 =	sor.u32 s3, s0;
	s1 =	sshll.u32 s1, $0x11  }
0xbd: {  	s0 =	sor.u32 s1, s0  }
0xbe: {  	s0 =	sadd.s32 $0x8F2B, s0  }
0xbf: {  	[sflag:s0] =	ssyncadd.remote.s32 $0x1  }
0xc0: {  	_ =	sfence.sel $0xFFFF  }
0xc1: {  	[dreg:$0x0] =	wrdreg $0xFFFFFFFF;
	(pc) =	sbr.abs _section_cstart, $3  }
0xc2: {  	[dreg:$0x1] =	wrdreg $0xFFFFFFFF  }
0xc3: {  	_ =	task.clear_ibuf [dreg:s8], $0x2FFFF;
	_ =	strace $0x9FFFFFFF  }
0xc4: {  	(tm) =	ssettm $0x7FFFFFFF  }
0xc5: {  	_ =	shalt  }
tec
execute0_lowered:
.L_overlay_start_1:
0x0: {  	(tag) =	ssettag $0x1  }
0x1: {  	s8 =	rddreg [dreg:$0x0]  }
0x2: {  	s7 =	rddreg [dreg:$0x1]  }
0x3: {  	s13 =	rddreg [dreg:$0x2]  }
0x4: {  	s0 =	rddreg [dreg:$0x3];
	s1 =	simm.s32 $0x0  }
0x5: {  	s4 =	srdreg.scid;
	s2 =	stileid.u32;
	s16 =	simm.s32 $0x8000  }
0x6: {  	s17 =	simm.s32 $0x10000;
	s18 =	simm.s32 $0x0;
	[smem:$0x7FF] =	sst s1  }
0x7: {  	s3 =	sadd.s32 $0x1000, s8;
	s6 =	sand.u32 $0x1, s4;
	s4 =	sadd.s32 $0x2000, s8  }
0x8: {  	s9 =	sshll.u32 s2, $0xD;
	s5 =	sadd.s32 $0x3000, s8;
	_ =	strace $0x80000047  }
0x9: {  	s10 =	sshll.u32 s6, $0xC;
	s11 =	ssub.s32 $0x2, s6;
	s6 =	sadd.s32 $0x4000, s8  }
0xa: {  	s8 =	sadd.s32 $0x5000, s8;
	s14 =	sor.u32 s10, s9;
	s31 =	sshrl.u32 s11, $0x1  }
0xb: {  	s7 =	sadd.s32 s7, s14;
	s15 =	ssub.s32 s11, s31;
	s13 =	sadd.s32 s13, s14  }
0xc: {  	s9 =	sadd.s32 $0x20000, s7;
	s10 =	sadd.s32 $0x40000, s7;
	s11 =	sadd.s32 $0x60000, s7  }
0xd: {  	s12 =	sadd.s32 $0x80000, s7;
	s14 =	smax.u32 s15, $0x1;
	s15 =	simm.s32 $0x1  }
.LBB2_1:
0xe: {  	[tilespmem:s1], [sflag:$0x1] =	stream.linear.gather [hbm4b:s3+s1], $0x8000, $0x38;
	[tilespmem:$0x18000] =	vst v63  }
0xf: {  	_ =	swait.ge [sflag:s15], $0x8000  }
0x10: {  	s19 =	simm.s32 $0x0;
	s20 =	sand.u32 $0x70, s1;
	[sflag:s15] =	ssyncset.done $0x0  }
0x11: {  	s21 =	sand.u32 $0x1C00, s1;
	s22 =	simm.s32 $0x0;
	[sflag:s15] =	ssyncadd.s32 $0xFFFF8000  }
0x12: {  	[tilespmem:s16], [sflag:$0x1] =	stream.linear.gather [hbm4b:s7+s1], $0x8000, $0x38;
	[tilespmem:$0x18000] =	vst v63  }
0x13: {  	s19 =	sand.u32 $0x6000, s19;
	s20 =	sor.u32 s21, s20;
	_ =	swait.ge [sflag:s15], $0x8000  }
0x14: {  	s31 =	sand.u32 $0x380, s22;
	s19 =	sor.u32 s19, s20;
	[sflag:s15] =	ssyncset.done $0x0  }
0x15: {  	s19 =	sor.u32 s31, s19;
	[sflag:s15] =	ssyncadd.s32 $0xFFFF8000  }
0x16: {  	v0 =	vld [tilespmem:s19+$0x8000];
	_ =	sdelay $0x2  }
0x17: {  	s24 =	simm.s32 $0x10  }
0x18: {  	s23 =	simm.s32 $0x2;
	s21 =	simm.s32 $0x10;
	s20 =	simm.s32 $0x80  }
0x19: {  	s22 =	simm.s32 $0x2;
	s25 =	sand.u32 $0x70, s21;
	s26 =	sand.u32 $0x1C00, s20  }
.LBB2_2:
0x1a: {  	p0 =	sne.s32 s22, $0x7FF;
	s24 =	sand.u32 $0x6000, s24;
	s25 =	sor.u32 s26, s25  }
0x1b: {  	s23 =	sand.u32 $0x380, s23;
	s28 =	smov.u32 s19;
	s24 =	sor.u32 s24, s25  }
0x1c: {  	s19 =	sor.u32 s23, s24;
	v1 =	vld.idx.msk [tilespmem:v0+s1+$0x0], $0xffff  }
0x1d: {  	v0 =	vld [tilespmem:s19+$0x8000]  }
.Ltmp0:
0x1e: {  	(pc) =	sbr.rel @p0 .LBB2_2-.Ltmp0, $4  }
0x1f: {  	_ = 	snop  }
0x20: {  	s20 =	sadd.s32 $0x80, s20  }
0x21: {  	s21 =	sadd.s32 $0x10, s21;
	s24 =	sshll.u32 s22, $0x4;
	s23 =	sshll.u32 s22, $0x1  }
0x22: {  	s25 =	sand.u32 $0x70, s21;
	s26 =	sand.u32 $0x1C00, s20;
	s22 =	sadd.s32 $0x1, s22;
	[tilespmem:s28+$0x10000] =	vst v1  }
0x23: {  	s20 =	sand.u32 $0x6000, s24;
	s21 =	sor.u32 s26, s25  }
0x24: {  	s22 =	sand.u32 $0x380, s23;
	s20 =	sor.u32 s20, s21  }
0x25: {  	s20 =	sor.u32 s22, s20  }
0x26: {  	v1 =	vld [tilespmem:s20+$0x8000];
	_ =	sdelay $0x1  }
0x27: {  	v0 =	vld.idx.msk [tilespmem:v0+s1+$0x0], $0xffff;
	_ =	sdelay $0x4  }
0x28: {  	[tilespmem:s19+$0x10000] =	vst v0  }
0x29: {  	v0 =	vld.idx.msk [tilespmem:v1+s1+$0x0], $0xffff;
	_ =	sdelay $0x4  }
0x2a: {  	s25 =	simm.s32 $0x0;
	[tilespmem:s20+$0x10000] =	vst v0  }
0x2b: {  	[tilespmem:s25], [sflag:$0x1] =	stream.linear.gather [hbm4b:s4+s25], $0x8000, $0x38;
	[tilespmem:$0x18000] =	vst v63  }
0x2c: {  	_ =	swait.ge [sflag:s15], $0x8000  }
0x2d: {  	s28 =	simm.s32 $0x0;
	s29 =	simm.s32 $0x0;
	[sflag:s15] =	ssyncset.done $0x0  }
0x2e: {  	s26 =	sand.u32 $0x70, s25;
	s19 =	sand.u32 $0x1C00, s25;
	[sflag:s15] =	ssyncadd.s32 $0xFFFF8000  }
0x2f: {  	[tilespmem:s16], [sflag:$0x1] =	stream.linear.gather [hbm4b:s9+s25], $0x8000, $0x38;
	[tilespmem:$0x18000] =	vst v63  }
0x30: {  	s21 =	sand.u32 $0x6000, s28;
	s19 =	sor.u32 s19, s26;
	_ =	swait.ge [sflag:s15], $0x8000  }
0x31: {  	s30 =	sand.u32 $0x380, s29;
	s19 =	sor.u32 s21, s19;
	[sflag:s15] =	ssyncset.done $0x0  }
0x32: {  	s19 =	sor.u32 s30, s19;
	[sflag:s15] =	ssyncadd.s32 $0xFFFF8000  }
0x33: {  	v0 =	vld [tilespmem:s19+$0x8000];
	_ =	sdelay $0x3  }
0x34: {  	s31 =	simm.s32 $0x80;
	s22 =	simm.s32 $0x10  }
0x35: {  	s23 =	simm.s32 $0x10;
	s21 =	sand.u32 $0x70, s22;
	s20 =	sand.u32 $0x1C00, s31  }
0x36: {  	s24 =	simm.s32 $0x2;
	s22 =	sand.u32 $0x6000, s23;
	s20 =	sor.u32 s20, s21  }
0x37: {  	s20 =	sor.u32 s22, s20;
	s25 =	sand.u32 $0x380, s24;
	v2 =	vld [tilespmem:s19+$0x10000]  }
0x38: {  	s20 =	sor.u32 s25, s20;
	v1 =	vld.idx.msk [tilespmem:v0+s1+$0x0], $0xffff  }
0x39: {  	v0 =	vld [tilespmem:s20+$0x8000];
	_ =	sdelay $0x1  }
0x3a: {  	s21 =	simm.s32 $0x100;
	s22 =	simm.s32 $0x20  }
0x3b: {  	s28 =	simm.s32 $0x20;
	s29 =	sand.u32 $0x1C00, s21;
	s26 =	sand.u32 $0x70, s22  }
0x3c: {  	s30 =	sand.u32 $0x6000, s28;
	s31 =	simm.s32 $0x4;
	s23 =	sor.u32 s29, s26  }
0x3d: {  	s24 =	sand.u32 $0x380, s31;
	s25 =	sor.u32 s30, s23;
	s23 =	simm.s32 $0x3;
	v1 =	vadd.f32 v2, v1  }
.LBB2_4:
0x3e: {  	p0 =	sne.s32 s23, $0x7FF;
	s24 =	sor.u32 s24, s25  }
0x3f: {  	v2 =	vld [tilespmem:s24+$0x8000];
	[tilespmem:s19+$0x10000] =	vst v1;
	s19 =	smov.u32 s20;
	s20 =	smov.u32 s24  }
0x40: {  	v1 =	vld.idx.msk [tilespmem:v0+s1+$0x0], $0xffff  }
0x41: {  	v3 =	vld [tilespmem:s19+$0x10000]  }
.Ltmp1:
0x42: {  	(pc) =	sbr.rel @p0 .LBB2_4-.Ltmp1, $4  }
0x43: {  	s21 =	sadd.s32 $0x80, s21;
	s22 =	sadd.s32 $0x10, s22  }
0x44: {  	s25 =	sshll.u32 s23, $0x4;
	s24 =	sand.u32 $0x70, s22;
	s26 =	sand.u32 $0x1C00, s21;
	v0 =	vmov v2  }
0x45: {  	s28 =	sshll.u32 s23, $0x1;
	s25 =	sand.u32 $0x6000, s25;
	s26 =	sor.u32 s26, s24  }
0x46: {  	s23 =	sadd.s32 $0x1, s23;
	s24 =	sand.u32 $0x380, s28;
	s25 =	sor.u32 s25, s26;
	v1 =	vadd.f32 v3, v1  }
0x47: {  	_ =	sdelay $0x1  }
0x48: {  	s21 =	sor.u32 s24, s25  }
0x49: {  	v2 =	vld [tilespmem:s21+$0x8000];
	[tilespmem:s19+$0x10000] =	vst v1  }
0x4a: {  	v0 =	vld.idx.msk [tilespmem:v0+s1+$0x0], $0xffff  }
0x4b: {  	v1 =	vld [tilespmem:s20+$0x10000];
	_ =	sdelay $0x4  }
0x4c: {  	v0 =	vadd.f32 v1, v0;
	_ =	sdelay $0x1  }
0x4d: {  	[tilespmem:s20+$0x10000] =	vst v0  }
0x4e: {  	v0 =	vld.idx.msk [tilespmem:v2+s1+$0x0], $0xffff  }
0x4f: {  	v1 =	vld [tilespmem:s21+$0x10000];
	_ =	sdelay $0x4  }
0x50: {  	v0 =	vadd.f32 v1, v0;
	_ =	sdelay $0x1  }
0x51: {  	s29 =	simm.s32 $0x0;
	[tilespmem:s21+$0x10000] =	vst v0  }
0x52: {  	[tilespmem:s29], [sflag:$0x1] =	stream.linear.gather [hbm4b:s5+s29], $0x8000, $0x38;
	[tilespmem:$0x18000] =	vst v63  }
0x53: {  	_ =	swait.ge [sflag:s15], $0x8000  }
0x54: {  	s31 =	simm.s32 $0x0;
	s22 =	simm.s32 $0x0;
	[sflag:s15] =	ssyncset.done $0x0  }
0x55: {  	s30 =	sand.u32 $0x70, s29;
	s19 =	sand.u32 $0x1C00, s29;
	[sflag:s15] =	ssyncadd.s32 $0xFFFF8000  }
0x56: {  	[tilespmem:s16], [sflag:$0x1] =	stream.linear.gather [hbm4b:s10+s29], $0x8000, $0x38;
	[tilespmem:$0x18000] =	vst v63  }
0x57: {  	s19 =	sor.u32 s19, s30;
	s21 =	sand.u32 $0x6000, s31;
	_ =	swait.ge [sflag:s15], $0x8000  }
0x58: {  	s22 =	sand.u32 $0x380, s22;
	s19 =	sor.u32 s21, s19;
	[sflag:s15] =	ssyncset.done $0x0  }
0x59: {  	s19 =	sor.u32 s22, s19;
	[sflag:s15] =	ssyncadd.s32 $0xFFFF8000  }
0x5a: {  	v0 =	vld [tilespmem:s19+$0x8000];
	_ =	sdelay $0x3  }
0x5b: {  	s23 =	simm.s32 $0x80;
	s24 =	simm.s32 $0x10  }
0x5c: {  	s25 =	simm.s32 $0x10;
	s20 =	sand.u32 $0x1C00, s23;
	s21 =	sand.u32 $0x70, s24  }
0x5d: {  	s23 =	simm.s32 $0x2;
	s22 =	sand.u32 $0x6000, s25;
	s20 =	sor.u32 s20, s21  }
0x5e: {  	s26 =	sand.u32 $0x380, s23;
	s20 =	sor.u32 s22, s20;
	v2 =	vld [tilespmem:s19+$0x10000]  }
0x5f: {  	s20 =	sor.u32 s26, s20;
	v1 =	vld.idx.msk [tilespmem:v0+s1+$0x0], $0xffff  }
0x60: {  	v0 =	vld [tilespmem:s20+$0x8000];
	_ =	sdelay $0x1  }
0x61: {  	s21 =	simm.s32 $0x100;
	s22 =	simm.s32 $0x20  }
0x62: {  	s30 =	sand.u32 $0x1C00, s21;
	s28 =	sand.u32 $0x70, s22;
	s29 =	simm.s32 $0x20  }
0x63: {  	s31 =	simm.s32 $0x4;
	s23 =	sor.u32 s30, s28;
	s26 =	sand.u32 $0x6000, s29  }
0x64: {  	s24 =	sand.u32 $0x380, s31;
	s25 =	sor.u32 s26, s23;
	s23 =	simm.s32 $0x3;
	v1 =	vadd.f32 v2, v1  }
.LBB2_6:
0x65: {  	p0 =	sne.s32 s23, $0x7FF;
	s24 =	sor.u32 s24, s25  }
0x66: {  	v2 =	vld [tilespmem:s24+$0x8000];
	[tilespmem:s19+$0x10000] =	vst v1;
	s19 =	smov.u32 s20;
	s20 =	smov.u32 s24  }
0x67: {  	v1 =	vld.idx.msk [tilespmem:v0+s1+$0x0], $0xffff  }
0x68: {  	v3 =	vld [tilespmem:s19+$0x10000]  }
.Ltmp2:
0x69: {  	(pc) =	sbr.rel @p0 .LBB2_6-.Ltmp2, $4  }
0x6a: {  	s21 =	sadd.s32 $0x80, s21;
	s22 =	sadd.s32 $0x10, s22  }
0x6b: {  	s25 =	sshll.u32 s23, $0x4;
	s24 =	sand.u32 $0x70, s22;
	s26 =	sand.u32 $0x1C00, s21;
	v0 =	vmov v2  }
0x6c: {  	s28 =	sshll.u32 s23, $0x1;
	s25 =	sand.u32 $0x6000, s25;
	s26 =	sor.u32 s26, s24  }
0x6d: {  	s23 =	sadd.s32 $0x1, s23;
	s24 =	sand.u32 $0x380, s28;
	s25 =	sor.u32 s25, s26;
	v1 =	vadd.f32 v3, v1  }
0x6e: {  	_ =	sdelay $0x1  }
0x6f: {  	s21 =	sor.u32 s24, s25  }
0x70: {  	v2 =	vld [tilespmem:s21+$0x8000];
	[tilespmem:s19+$0x10000] =	vst v1  }
0x71: {  	v0 =	vld.idx.msk [tilespmem:v0+s1+$0x0], $0xffff  }
0x72: {  	v1 =	vld [tilespmem:s20+$0x10000];
	_ =	sdelay $0x4  }
0x73: {  	v0 =	vadd.f32 v1, v0;
	_ =	sdelay $0x1  }
0x74: {  	[tilespmem:s20+$0x10000] =	vst v0  }
0x75: {  	v0 =	vld.idx.msk [tilespmem:v2+s1+$0x0], $0xffff  }
0x76: {  	v1 =	vld [tilespmem:s21+$0x10000];
	_ =	sdelay $0x4  }
0x77: {  	v0 =	vadd.f32 v1, v0;
	_ =	sdelay $0x1  }
0x78: {  	s29 =	simm.s32 $0x0;
	[tilespmem:s21+$0x10000] =	vst v0  }
0x79: {  	[tilespmem:s29], [sflag:$0x1] =	stream.linear.gather [hbm4b:s6+s29], $0x8000, $0x38;
	[tilespmem:$0x18000] =	vst v63  }
0x7a: {  	_ =	swait.ge [sflag:s15], $0x8000  }
0x7b: {  	s31 =	simm.s32 $0x0;
	s22 =	simm.s32 $0x0;
	[sflag:s15] =	ssyncset.done $0x0  }
0x7c: {  	s30 =	sand.u32 $0x70, s29;
	s19 =	sand.u32 $0x1C00, s29;
	[sflag:s15] =	ssyncadd.s32 $0xFFFF8000  }
0x7d: {  	[tilespmem:s16], [sflag:$0x1] =	stream.linear.gather [hbm4b:s11+s29], $0x8000, $0x38;
	[tilespmem:$0x18000] =	vst v63  }
0x7e: {  	s19 =	sor.u32 s19, s30;
	s21 =	sand.u32 $0x6000, s31;
	_ =	swait.ge [sflag:s15], $0x8000  }
0x7f: {  	s22 =	sand.u32 $0x380, s22;
	s19 =	sor.u32 s21, s19;
	[sflag:s15] =	ssyncset.done $0x0  }
0x80: {  	s19 =	sor.u32 s22, s19;
	[sflag:s15] =	ssyncadd.s32 $0xFFFF8000  }
0x81: {  	v0 =	vld [tilespmem:s19+$0x8000];
	_ =	sdelay $0x3  }
0x82: {  	s23 =	simm.s32 $0x80;
	s24 =	simm.s32 $0x10  }
0x83: {  	s25 =	simm.s32 $0x10;
	s20 =	sand.u32 $0x1C00, s23;
	s21 =	sand.u32 $0x70, s24  }
0x84: {  	s23 =	simm.s32 $0x2;
	s22 =	sand.u32 $0x6000, s25;
	s20 =	sor.u32 s20, s21  }
0x85: {  	s26 =	sand.u32 $0x380, s23;
	s20 =	sor.u32 s22, s20;
	v2 =	vld [tilespmem:s19+$0x10000]  }
0x86: {  	s20 =	sor.u32 s26, s20;
	v1 =	vld.idx.msk [tilespmem:v0+s1+$0x0], $0xffff  }
0x87: {  	v0 =	vld [tilespmem:s20+$0x8000];
	_ =	sdelay $0x1  }
0x88: {  	s21 =	simm.s32 $0x100;
	s22 =	simm.s32 $0x20  }
0x89: {  	s30 =	sand.u32 $0x1C00, s21;
	s28 =	sand.u32 $0x70, s22;
	s29 =	simm.s32 $0x20  }
0x8a: {  	s31 =	simm.s32 $0x4;
	s23 =	sor.u32 s30, s28;
	s26 =	sand.u32 $0x6000, s29  }
0x8b: {  	s24 =	sand.u32 $0x380, s31;
	s25 =	sor.u32 s26, s23;
	s23 =	simm.s32 $0x3;
	v1 =	vadd.f32 v2, v1  }
.LBB2_8:
0x8c: {  	p0 =	sne.s32 s23, $0x7FF;
	s24 =	sor.u32 s24, s25  }
0x8d: {  	v2 =	vld [tilespmem:s24+$0x8000];
	[tilespmem:s19+$0x10000] =	vst v1;
	s19 =	smov.u32 s20;
	s20 =	smov.u32 s24  }
0x8e: {  	v1 =	vld.idx.msk [tilespmem:v0+s1+$0x0], $0xffff  }
0x8f: {  	v3 =	vld [tilespmem:s19+$0x10000]  }
.Ltmp3:
0x90: {  	(pc) =	sbr.rel @p0 .LBB2_8-.Ltmp3, $4  }
0x91: {  	s21 =	sadd.s32 $0x80, s21;
	s22 =	sadd.s32 $0x10, s22  }
0x92: {  	s25 =	sshll.u32 s23, $0x4;
	s24 =	sand.u32 $0x70, s22;
	s26 =	sand.u32 $0x1C00, s21;
	v0 =	vmov v2  }
0x93: {  	s28 =	sshll.u32 s23, $0x1;
	s25 =	sand.u32 $0x6000, s25;
	s26 =	sor.u32 s26, s24  }
0x94: {  	s23 =	sadd.s32 $0x1, s23;
	s24 =	sand.u32 $0x380, s28;
	s25 =	sor.u32 s25, s26;
	v1 =	vadd.f32 v3, v1  }
0x95: {  	_ =	sdelay $0x1  }
0x96: {  	s21 =	sor.u32 s24, s25  }
0x97: {  	v2 =	vld [tilespmem:s21+$0x8000];
	[tilespmem:s19+$0x10000] =	vst v1  }
0x98: {  	v0 =	vld.idx.msk [tilespmem:v0+s1+$0x0], $0xffff  }
0x99: {  	v1 =	vld [tilespmem:s20+$0x10000];
	_ =	sdelay $0x4  }
0x9a: {  	v0 =	vadd.f32 v1, v0;
	_ =	sdelay $0x1  }
0x9b: {  	[tilespmem:s20+$0x10000] =	vst v0  }
0x9c: {  	v0 =	vld.idx.msk [tilespmem:v2+s1+$0x0], $0xffff  }
0x9d: {  	v1 =	vld [tilespmem:s21+$0x10000];
	_ =	sdelay $0x4  }
0x9e: {  	v0 =	vadd.f32 v1, v0;
	_ =	sdelay $0x1  }
0x9f: {  	s28 =	simm.s32 $0x0;
	[tilespmem:s21+$0x10000] =	vst v0  }
0xa0: {  	[tilespmem:s28], [sflag:$0x1] =	stream.linear.gather [hbm4b:s8+s28], $0x8000, $0x38;
	[tilespmem:$0x18000] =	vst v63  }
0xa1: {  	_ =	swait.ge [sflag:s15], $0x8000  }
0xa2: {  	s29 =	simm.s32 $0x0;
	s22 =	simm.s32 $0x0;
	[sflag:s15] =	ssyncset.done $0x0  }
0xa3: {  	s30 =	sand.u32 $0x70, s28;
	s19 =	sand.u32 $0x1C00, s28;
	[sflag:s15] =	ssyncadd.s32 $0xFFFF8000  }
0xa4: {  	[tilespmem:s16], [sflag:$0x1] =	stream.linear.gather [hbm4b:s12+s28], $0x8000, $0x38;
	[tilespmem:$0x18000] =	vst v63  }
0xa5: {  	s19 =	sor.u32 s19, s30;
	s20 =	sand.u32 $0x6000, s29;
	_ =	swait.ge [sflag:s15], $0x8000  }
0xa6: {  	s31 =	sand.u32 $0x380, s22;
	s19 =	sor.u32 s20, s19;
	[sflag:s15] =	ssyncset.done $0x0  }
0xa7: {  	s19 =	sor.u32 s31, s19;
	[sflag:s15] =	ssyncadd.s32 $0xFFFF8000  }
0xa8: {  	v0 =	vld [tilespmem:s19+$0x8000];
	_ =	sdelay $0x4  }
0xa9: {  	s24 =	simm.s32 $0x10  }
0xaa: {  	s23 =	simm.s32 $0x2;
	s20 =	simm.s32 $0x80;
	s21 =	simm.s32 $0x10  }
0xab: {  	s22 =	simm.s32 $0x2;
	s26 =	sand.u32 $0x1C00, s20;
	s25 =	sand.u32 $0x70, s21  }
.LBB2_10:
0xac: {  	p0 =	sne.s32 s22, $0x7FF;
	s24 =	sand.u32 $0x6000, s24;
	s25 =	sor.u32 s26, s25;
	v1 =	vld.idx.msk [tilespmem:v0+s1+$0x0], $0xffff  }
0xad: {  	s23 =	sand.u32 $0x380, s23;
	s28 =	smov.u32 s19;
	s24 =	sor.u32 s24, s25;
	v2 =	vld [tilespmem:s19+$0x10000]  }
0xae: {  	s19 =	sor.u32 s23, s24  }
0xaf: {  	v0 =	vld [tilespmem:s19+$0x8000];
	_ =	sdelay $0x2  }
.Ltmp4:
0xb0: {  	v1 =	vadd.f32 v2, v1;
	(pc) =	sbr.rel @p0 .LBB2_10-.Ltmp4, $4  }
0xb1: {  	_ = 	snop  }
0xb2: {  	s20 =	sadd.s32 $0x80, s20;
	v1 =	vmax.f32 v1, $-3.402823470e+38  }
0xb3: {  	s21 =	sadd.s32 $0x10, s21;
	s24 =	sshll.u32 s22, $0x4;
	s23 =	sshll.u32 s22, $0x1;
	v1 =	vmin.f32 v1, $3.402823470e+38  }
0xb4: {  	s25 =	sand.u32 $0x70, s21;
	s26 =	sand.u32 $0x1C00, s20;
	s22 =	sadd.s32 $0x1, s22;
	[tilespmem:s28+$0x10000] =	vst v1  }
0xb5: {  	_ =	sdelay $0x3  }
0xb6: {  	v0 =	vld.idx.msk [tilespmem:v0+s1+$0x0], $0xffff  }
0xb7: {  	s20 =	sand.u32 $0x6000, s24;
	s21 =	sor.u32 s26, s25;
	v1 =	vld [tilespmem:s19+$0x10000]  }
0xb8: {  	s22 =	sand.u32 $0x380, s23;
	s20 =	sor.u32 s20, s21  }
0xb9: {  	s20 =	sor.u32 s22, s20  }
0xba: {  	v2 =	vld [tilespmem:s20+$0x8000];
	_ =	sdelay $0x1  }
0xbb: {  	v0 =	vadd.f32 v1, v0;
	_ =	sdelay $0x1  }
0xbc: {  	v0 =	vmax.f32 v0, $-3.402823470e+38  }
0xbd: {  	v0 =	vmin.f32 v0, $3.402823470e+38  }
0xbe: {  	[tilespmem:s19+$0x10000] =	vst v0  }
0xbf: {  	v63 =	vld [tilespmem:s20+$0x10000]  }
0xc0: {  	v0 =	vld.idx.msk [tilespmem:v2+s1+$0x0], $0xffff;
	_ =	sdelay $0x4  }
0xc1: {  	v0 =	vadd.f32 v63, v0;
	_ =	sdelay $0x1  }
0xc2: {  	s18 =	sadd.s32 $0x1, s18;
	v0 =	vmax.f32 v0, $-3.402823470e+38  }
0xc3: {  	p0 =	sne.s32 s18, s14;
	v0 =	vmin.f32 v0, $3.402823470e+38  }
.Ltmp5:
0xc4: {  	[tilespmem:s20+$0x10000] =	vst v0;
	(pc) =	sbr.rel @p0 .LBB2_1-.Ltmp5, $4  }
0xc5: {  	[hbm4b:s13+s1] =	stream.linear.scatter [tilespmem:s17], [sflag:$0x1], $0x8000, $0x38;
	[tilespmem:$0x18000] =	vst v63  }
0xc6: {  	_ =	swait.ge [sflag:s15], $0x8000  }
0xc7: {  	[sflag:s15] =	ssyncset.done $0x0  }
0xc8: {  	[sflag:s15] =	ssyncadd.s32 $0xFFFF8000  }
0xc9: {  	_ =	sfence.sel $0x180000  }
0xca: {  	[bflag:$0x0] =	sbarrier.arrive $0xFFFF  }
0xcb: {  	p0 =	sne.s32 s2, $0x0;
	_ =	strace $0x90000047  }
0xcc: {  	s0 =	sadd.s32 @!p0 $0x100000, s0;
	[bflag:$0x2] =	sbarrier.arrive $0xFFFF  }
0xcd: {  	[sflag:s0] =	ssyncadd.tile.s32 @!p0 $0x1;
	_ =	shalt  }
.Lfunc_end2:
_tile_overlayer_lowered:
.L_overlay_start_2:
0xce: {  	(tag) =	ssettag $0x2  }
0xcf: {  	s0 =	rddreg [dreg:$0x0];
	s2 =	stileid.u32  }
0xd0: {  	s1 =	rddreg [dreg:$0x1];
	p0 =	sne.s32 s2, $0x0  }
0xd1: {  	s3 =	rddreg [dreg:$0x2];
	[bflag:$0x3] =	sbarrier.arrive $0xFFFF;
	s2 =	simm.s32 @!p0 $0x1C01  }
0xd2: {  	[timem:s3], [sflag:s2] =	dma.local @!p0 [hbm:s0], s1  }
0xd3: {  	s0 =	simm.s32 @!p0 $0x1  }
0xd4: {  	_ =	swait.ge @!p0 [sflag:s0], s1  }
0xd5: {  	s1 =	ssub.s32 @!p0 $0x0, s1;
	[sflag:s0] =	ssyncset.done @!p0 $0x0  }
0xd6: {  	[sflag:s0] =	ssyncadd.s32 @!p0 s1  }
0xd7: {  	[bflag:$0x3] =	sbarrier.arrive $0xFFFF  }
0xd8: {  	_ =	shalt  }

</sc_bundles>
